<compile_context>
chip_gen: v7x
topology: tpu7x:2x2x1
jax: 0.10.2.dev20260603
libtpu: 0.0.44.dev20260713+nightly
codegen_flags: <defaults>
</compile_context>

<pallas_src>
import functools

import jax
import jax.numpy as jnp
from jax.experimental import pallas as pl
from jax.experimental.pallas import tpu as pltpu
from jax.experimental.pallas import tpu_sc as plsc

_A = 32 * 1024
_M = 128 * 512
_S = 32768
_TOTAL = _A + _M + _S
_NCH = 8
_C = _TOTAL // _NCH


def _body(x_hbm, a_hbm, m_hbm, s_hbm, *scr):
    bufs, sems = scr[:_NCH], scr[_NCH:]
    dests = (
        [(a_hbm, i * _C) for i in range(_A // _C)]
        + [(m_hbm, i * _C) for i in range(_M // _C)]
        + [(s_hbm, i * _C) for i in range(_S // _C)]
    )
    gathers = [
        pltpu.async_copy(x_hbm.at[pl.ds(i * _C, _C)], bufs[i], sems[i])
        for i in range(_NCH)
    ]
    scatters = []
    for i in range(_NCH):
        gathers[i].wait()
        ref, off = dests[i]
        scatters.append(pltpu.async_copy(bufs[i], ref.at[pl.ds(off, _C)], sems[i]))
    for s in scatters:
        s.wait()


_scatter = functools.partial(
    pl.kernel,
    out_type=[
        jax.ShapeDtypeStruct((_A,), jnp.float32),
        jax.ShapeDtypeStruct((_M,), jnp.float32),
        jax.ShapeDtypeStruct((_S,), jnp.float32),
    ],
    mesh=plsc.ScalarSubcoreMesh(axis_name="c", num_cores=1),
    scratch_types=(
        [pltpu.VMEM_SHARED((_C,), jnp.float32)] * _NCH
        + [pltpu.SemaphoreType.DMA] * _NCH
    ),
)(_body)


def kernel(logits):
    a, m, s = _scatter(logits)
    return {
        "attack": a.reshape(32, 1024),
        "move": m.reshape(128, 512),
        "select": s.reshape(1, 32768),
    }

# --- scband reference (transcript-rebuilt; emitter-appended) ---
"""Pipeline reference for scband-action-interpreter-84439057039908 (READ-ONLY COPY).

The authoritative reference and input builder live on the scoring server;
editing this copy changes nothing except your own understanding.
"""

import jax, jax.numpy as jnp
import numpy as np

# action = {'attack': MultiDiscrete([1024]*32), 'move': MultiDiscrete([512]*128), 'select': Discrete(32768)}
# jax.tree.flatten on a dict sorts keys alphabetically: attack, move, select
KEYS = ["attack", "move", "select"]
NVEC = [[1024] * 32, [512] * 128, [32768]]
OUT_FEATURES = sum(sum(v) for v in NVEC)  # 131072


def setup_inputs(seed: int = 0) -> dict:
    key = jax.random.key(seed)
    logits = jax.random.normal(key, (OUT_FEATURES,), dtype=jnp.float32)
    return {"logits": logits}


def _interpret_one(nvec_list, seg):
    nvec = np.asarray(nvec_list)
    y, x = len(nvec), int(nvec.max())
    grid = jnp.full((y, x), -jnp.inf, dtype=jnp.float32)
    rows = np.repeat(np.arange(y), nvec)
    cols = np.arange(int(nvec.sum())) - np.repeat(np.cumsum(nvec) - nvec, nvec)
    return grid.at[rows, cols].set(seg)


def reference(logits):
    assert logits.shape[0] == OUT_FEATURES
    sizes = [sum(v) for v in NVEC]
    splits = jnp.split(logits, np.cumsum(sizes)[:-1])
    out = {}
    for k, v, seg in zip(KEYS, NVEC, splits):
        out[k] = _interpret_one(v, seg)
    return out

if __name__ == "__main__":
    import jax
    _d = setup_inputs()
    print(jax.jit(kernel)(*tuple(_d.values())))

</pallas_src>

<mosaic_0001>
#map = affine_map<(d0) -> (0)>
module attributes {stable_mosaic.version = 14 : i64} {
  func.func @_body(%arg0: i32, %arg1: memref<131072xf32, #tpu.memory_space<hbm>>, %arg2: memref<32768xf32, #tpu.memory_space<hbm>>, %arg3: memref<65536xf32, #tpu.memory_space<hbm>>, %arg4: memref<32768xf32, #tpu.memory_space<hbm>>, %arg5: memref<16384xf32, #tpu.memory_space<vmem_shared>>, %arg6: memref<16384xf32, #tpu.memory_space<vmem_shared>>, %arg7: memref<16384xf32, #tpu.memory_space<vmem_shared>>, %arg8: memref<16384xf32, #tpu.memory_space<vmem_shared>>, %arg9: memref<16384xf32, #tpu.memory_space<vmem_shared>>, %arg10: memref<16384xf32, #tpu.memory_space<vmem_shared>>, %arg11: memref<16384xf32, #tpu.memory_space<vmem_shared>>, %arg12: memref<16384xf32, #tpu.memory_space<vmem_shared>>, %arg13: memref<!tpu.dma_semaphore, #tpu.memory_space<semaphore_mem>>, %arg14: memref<!tpu.dma_semaphore, #tpu.memory_space<semaphore_mem>>, %arg15: memref<!tpu.dma_semaphore, #tpu.memory_space<semaphore_mem>>, %arg16: memref<!tpu.dma_semaphore, #tpu.memory_space<semaphore_mem>>, %arg17: memref<!tpu.dma_semaphore, #tpu.memory_space<semaphore_mem>>, %arg18: memref<!tpu.dma_semaphore, #tpu.memory_space<semaphore_mem>>, %arg19: memref<!tpu.dma_semaphore, #tpu.memory_space<semaphore_mem>>, %arg20: memref<!tpu.dma_semaphore, #tpu.memory_space<semaphore_mem>>) attributes {dimension_semantics = [#tpu.dimension_semantics<core_parallel>], iteration_bounds = array<i64: 1>, scalar_prefetch = 0 : i64, scratch_operands = 16 : i64, tpu.core_type = #tpu.core_type<sc_scalar_subcore>, window_params = [{transform_indices = #map}, {transform_indices = #map}, {transform_indices = #map}, {transform_indices = #map}]} {
    %dma_start3A = arith.constant 0 : i32
    %dma_start3A_0 = tpu.memref_slice %arg1[%dma_start3A] : memref<131072xf32, #tpu.memory_space<hbm>> -> memref<16384xf32, #tpu.memory_space<hbm>>
    tpu.enqueue_dma source(%dma_start3A_0 : memref<16384xf32, #tpu.memory_space<hbm>>) target(%arg5 : memref<16384xf32, #tpu.memory_space<vmem_shared>>) target_semaphore(%arg13 : memref<!tpu.dma_semaphore, #tpu.memory_space<semaphore_mem>>)
    %dma_start3A_1 = arith.constant 16384 : i32
    %dma_start3A_2 = tpu.memref_slice %arg1[%dma_start3A_1] : memref<131072xf32, #tpu.memory_space<hbm>> -> memref<16384xf32, #tpu.memory_space<hbm>>
    tpu.enqueue_dma source(%dma_start3A_2 : memref<16384xf32, #tpu.memory_space<hbm>>) target(%arg6 : memref<16384xf32, #tpu.memory_space<vmem_shared>>) target_semaphore(%arg14 : memref<!tpu.dma_semaphore, #tpu.memory_space<semaphore_mem>>)
    %dma_start3A_3 = arith.constant 32768 : i32
    %dma_start3A_4 = tpu.memref_slice %arg1[%dma_start3A_3] : memref<131072xf32, #tpu.memory_space<hbm>> -> memref<16384xf32, #tpu.memory_space<hbm>>
    tpu.enqueue_dma source(%dma_start3A_4 : memref<16384xf32, #tpu.memory_space<hbm>>) target(%arg7 : memref<16384xf32, #tpu.memory_space<vmem_shared>>) target_semaphore(%arg15 : memref<!tpu.dma_semaphore, #tpu.memory_space<semaphore_mem>>)
    %dma_start3A_5 = arith.constant 49152 : i32
    %dma_start3A_6 = tpu.memref_slice %arg1[%dma_start3A_5] : memref<131072xf32, #tpu.memory_space<hbm>> -> memref<16384xf32, #tpu.memory_space<hbm>>
    tpu.enqueue_dma source(%dma_start3A_6 : memref<16384xf32, #tpu.memory_space<hbm>>) target(%arg8 : memref<16384xf32, #tpu.memory_space<vmem_shared>>) target_semaphore(%arg16 : memref<!tpu.dma_semaphore, #tpu.memory_space<semaphore_mem>>)
    %dma_start3A_7 = arith.constant 65536 : i32
    %dma_start3A_8 = tpu.memref_slice %arg1[%dma_start3A_7] : memref<131072xf32, #tpu.memory_space<hbm>> -> memref<16384xf32, #tpu.memory_space<hbm>>
    tpu.enqueue_dma source(%dma_start3A_8 : memref<16384xf32, #tpu.memory_space<hbm>>) target(%arg9 : memref<16384xf32, #tpu.memory_space<vmem_shared>>) target_semaphore(%arg17 : memref<!tpu.dma_semaphore, #tpu.memory_space<semaphore_mem>>)
    %dma_start3A_9 = arith.constant 81920 : i32
    %dma_start3A_10 = tpu.memref_slice %arg1[%dma_start3A_9] : memref<131072xf32, #tpu.memory_space<hbm>> -> memref<16384xf32, #tpu.memory_space<hbm>>
    tpu.enqueue_dma source(%dma_start3A_10 : memref<16384xf32, #tpu.memory_space<hbm>>) target(%arg10 : memref<16384xf32, #tpu.memory_space<vmem_shared>>) target_semaphore(%arg18 : memref<!tpu.dma_semaphore, #tpu.memory_space<semaphore_mem>>)
    %dma_start3A_11 = arith.constant 98304 : i32
    %dma_start3A_12 = tpu.memref_slice %arg1[%dma_start3A_11] : memref<131072xf32, #tpu.memory_space<hbm>> -> memref<16384xf32, #tpu.memory_space<hbm>>
    tpu.enqueue_dma source(%dma_start3A_12 : memref<16384xf32, #tpu.memory_space<hbm>>) target(%arg11 : memref<16384xf32, #tpu.memory_space<vmem_shared>>) target_semaphore(%arg19 : memref<!tpu.dma_semaphore, #tpu.memory_space<semaphore_mem>>)
    %dma_start3A_13 = arith.constant 114688 : i32
    %dma_start3A_14 = tpu.memref_slice %arg1[%dma_start3A_13] : memref<131072xf32, #tpu.memory_space<hbm>> -> memref<16384xf32, #tpu.memory_space<hbm>>
    tpu.enqueue_dma source(%dma_start3A_14 : memref<16384xf32, #tpu.memory_space<hbm>>) target(%arg12 : memref<16384xf32, #tpu.memory_space<vmem_shared>>) target_semaphore(%arg20 : memref<!tpu.dma_semaphore, #tpu.memory_space<semaphore_mem>>)
    %dma_wait3A = arith.constant 0 : i32
    %dma_wait3A_15 = tpu.memref_slice %arg1[%dma_wait3A] : memref<131072xf32, #tpu.memory_space<hbm>> -> memref<16384xf32, #tpu.memory_space<hbm>>
    tpu.wait_dma2 semaphore(%arg13 : memref<!tpu.dma_semaphore, #tpu.memory_space<semaphore_mem>>) src(%dma_wait3A_15 : memref<16384xf32, #tpu.memory_space<hbm>>) dst(%arg5 : memref<16384xf32, #tpu.memory_space<vmem_shared>>)
    %dma_start3A_16 = arith.constant 0 : i32
    %dma_start3A_17 = tpu.memref_slice %arg2[%dma_start3A_16] : memref<32768xf32, #tpu.memory_space<hbm>> -> memref<16384xf32, #tpu.memory_space<hbm>>
    tpu.enqueue_dma source(%arg5 : memref<16384xf32, #tpu.memory_space<vmem_shared>>) target(%dma_start3A_17 : memref<16384xf32, #tpu.memory_space<hbm>>) target_semaphore(%arg13 : memref<!tpu.dma_semaphore, #tpu.memory_space<semaphore_mem>>)
    %dma_wait3A_18 = arith.constant 16384 : i32
    %dma_wait3A_19 = tpu.memref_slice %arg1[%dma_wait3A_18] : memref<131072xf32, #tpu.memory_space<hbm>> -> memref<16384xf32, #tpu.memory_space<hbm>>
    tpu.wait_dma2 semaphore(%arg14 : memref<!tpu.dma_semaphore, #tpu.memory_space<semaphore_mem>>) src(%dma_wait3A_19 : memref<16384xf32, #tpu.memory_space<hbm>>) dst(%arg6 : memref<16384xf32, #tpu.memory_space<vmem_shared>>)
    %dma_start3A_20 = arith.constant 16384 : i32
    %dma_start3A_21 = tpu.memref_slice %arg2[%dma_start3A_20] : memref<32768xf32, #tpu.memory_space<hbm>> -> memref<16384xf32, #tpu.memory_space<hbm>>
    tpu.enqueue_dma source(%arg6 : memref<16384xf32, #tpu.memory_space<vmem_shared>>) target(%dma_start3A_21 : memref<16384xf32, #tpu.memory_space<hbm>>) target_semaphore(%arg14 : memref<!tpu.dma_semaphore, #tpu.memory_space<semaphore_mem>>)
    %dma_wait3A_22 = arith.constant 32768 : i32
    %dma_wait3A_23 = tpu.memref_slice %arg1[%dma_wait3A_22] : memref<131072xf32, #tpu.memory_space<hbm>> -> memref<16384xf32, #tpu.memory_space<hbm>>
    tpu.wait_dma2 semaphore(%arg15 : memref<!tpu.dma_semaphore, #tpu.memory_space<semaphore_mem>>) src(%dma_wait3A_23 : memref<16384xf32, #tpu.memory_space<hbm>>) dst(%arg7 : memref<16384xf32, #tpu.memory_space<vmem_shared>>)
    %dma_start3A_24 = arith.constant 0 : i32
    %dma_start3A_25 = tpu.memref_slice %arg3[%dma_start3A_24] : memref<65536xf32, #tpu.memory_space<hbm>> -> memref<16384xf32, #tpu.memory_space<hbm>>
    tpu.enqueue_dma source(%arg7 : memref<16384xf32, #tpu.memory_space<vmem_shared>>) target(%dma_start3A_25 : memref<16384xf32, #tpu.memory_space<hbm>>) target_semaphore(%arg15 : memref<!tpu.dma_semaphore, #tpu.memory_space<semaphore_mem>>)
    %dma_wait3A_26 = arith.constant 49152 : i32
    %dma_wait3A_27 = tpu.memref_slice %arg1[%dma_wait3A_26] : memref<131072xf32, #tpu.memory_space<hbm>> -> memref<16384xf32, #tpu.memory_space<hbm>>
    tpu.wait_dma2 semaphore(%arg16 : memref<!tpu.dma_semaphore, #tpu.memory_space<semaphore_mem>>) src(%dma_wait3A_27 : memref<16384xf32, #tpu.memory_space<hbm>>) dst(%arg8 : memref<16384xf32, #tpu.memory_space<vmem_shared>>)
    %dma_start3A_28 = arith.constant 16384 : i32
    %dma_start3A_29 = tpu.memref_slice %arg3[%dma_start3A_28] : memref<65536xf32, #tpu.memory_space<hbm>> -> memref<16384xf32, #tpu.memory_space<hbm>>
    tpu.enqueue_dma source(%arg8 : memref<16384xf32, #tpu.memory_space<vmem_shared>>) target(%dma_start3A_29 : memref<16384xf32, #tpu.memory_space<hbm>>) target_semaphore(%arg16 : memref<!tpu.dma_semaphore, #tpu.memory_space<semaphore_mem>>)
    %dma_wait3A_30 = arith.constant 65536 : i32
    %dma_wait3A_31 = tpu.memref_slice %arg1[%dma_wait3A_30] : memref<131072xf32, #tpu.memory_space<hbm>> -> memref<16384xf32, #tpu.memory_space<hbm>>
    tpu.wait_dma2 semaphore(%arg17 : memref<!tpu.dma_semaphore, #tpu.memory_space<semaphore_mem>>) src(%dma_wait3A_31 : memref<16384xf32, #tpu.memory_space<hbm>>) dst(%arg9 : memref<16384xf32, #tpu.memory_space<vmem_shared>>)
    %dma_start3A_32 = arith.constant 32768 : i32
    %dma_start3A_33 = tpu.memref_slice %arg3[%dma_start3A_32] : memref<65536xf32, #tpu.memory_space<hbm>> -> memref<16384xf32, #tpu.memory_space<hbm>>
    tpu.enqueue_dma source(%arg9 : memref<16384xf32, #tpu.memory_space<vmem_shared>>) target(%dma_start3A_33 : memref<16384xf32, #tpu.memory_space<hbm>>) target_semaphore(%arg17 : memref<!tpu.dma_semaphore, #tpu.memory_space<semaphore_mem>>)
    %dma_wait3A_34 = arith.constant 81920 : i32
    %dma_wait3A_35 = tpu.memref_slice %arg1[%dma_wait3A_34] : memref<131072xf32, #tpu.memory_space<hbm>> -> memref<16384xf32, #tpu.memory_space<hbm>>
    tpu.wait_dma2 semaphore(%arg18 : memref<!tpu.dma_semaphore, #tpu.memory_space<semaphore_mem>>) src(%dma_wait3A_35 : memref<16384xf32, #tpu.memory_space<hbm>>) dst(%arg10 : memref<16384xf32, #tpu.memory_space<vmem_shared>>)
    %dma_start3A_36 = arith.constant 49152 : i32
    %dma_start3A_37 = tpu.memref_slice %arg3[%dma_start3A_36] : memref<65536xf32, #tpu.memory_space<hbm>> -> memref<16384xf32, #tpu.memory_space<hbm>>
    tpu.enqueue_dma source(%arg10 : memref<16384xf32, #tpu.memory_space<vmem_shared>>) target(%dma_start3A_37 : memref<16384xf32, #tpu.memory_space<hbm>>) target_semaphore(%arg18 : memref<!tpu.dma_semaphore, #tpu.memory_space<semaphore_mem>>)
    %dma_wait3A_38 = arith.constant 98304 : i32
    %dma_wait3A_39 = tpu.memref_slice %arg1[%dma_wait3A_38] : memref<131072xf32, #tpu.memory_space<hbm>> -> memref<16384xf32, #tpu.memory_space<hbm>>
    tpu.wait_dma2 semaphore(%arg19 : memref<!tpu.dma_semaphore, #tpu.memory_space<semaphore_mem>>) src(%dma_wait3A_39 : memref<16384xf32, #tpu.memory_space<hbm>>) dst(%arg11 : memref<16384xf32, #tpu.memory_space<vmem_shared>>)
    %dma_start3A_40 = arith.constant 0 : i32
    %dma_start3A_41 = tpu.memref_slice %arg4[%dma_start3A_40] : memref<32768xf32, #tpu.memory_space<hbm>> -> memref<16384xf32, #tpu.memory_space<hbm>>
    tpu.enqueue_dma source(%arg11 : memref<16384xf32, #tpu.memory_space<vmem_shared>>) target(%dma_start3A_41 : memref<16384xf32, #tpu.memory_space<hbm>>) target_semaphore(%arg19 : memref<!tpu.dma_semaphore, #tpu.memory_space<semaphore_mem>>)
    %dma_wait3A_42 = arith.constant 114688 : i32
    %dma_wait3A_43 = tpu.memref_slice %arg1[%dma_wait3A_42] : memref<131072xf32, #tpu.memory_space<hbm>> -> memref<16384xf32, #tpu.memory_space<hbm>>
    tpu.wait_dma2 semaphore(%arg20 : memref<!tpu.dma_semaphore, #tpu.memory_space<semaphore_mem>>) src(%dma_wait3A_43 : memref<16384xf32, #tpu.memory_space<hbm>>) dst(%arg12 : memref<16384xf32, #tpu.memory_space<vmem_shared>>)
    %dma_start3A_44 = arith.constant 16384 : i32
    %dma_start3A_45 = tpu.memref_slice %arg4[%dma_start3A_44] : memref<32768xf32, #tpu.memory_space<hbm>> -> memref<16384xf32, #tpu.memory_space<hbm>>
    tpu.enqueue_dma source(%arg12 : memref<16384xf32, #tpu.memory_space<vmem_shared>>) target(%dma_start3A_45 : memref<16384xf32, #tpu.memory_space<hbm>>) target_semaphore(%arg20 : memref<!tpu.dma_semaphore, #tpu.memory_space<semaphore_mem>>)
    %dma_wait3A_46 = arith.constant 0 : i32
    %dma_wait3A_47 = tpu.memref_slice %arg2[%dma_wait3A_46] : memref<32768xf32, #tpu.memory_space<hbm>> -> memref<16384xf32, #tpu.memory_space<hbm>>
    tpu.wait_dma2 semaphore(%arg13 : memref<!tpu.dma_semaphore, #tpu.memory_space<semaphore_mem>>) src(%arg5 : memref<16384xf32, #tpu.memory_space<vmem_shared>>) dst(%dma_wait3A_47 : memref<16384xf32, #tpu.memory_space<hbm>>)
    %dma_wait3A_48 = arith.constant 16384 : i32
    %dma_wait3A_49 = tpu.memref_slice %arg2[%dma_wait3A_48] : memref<32768xf32, #tpu.memory_space<hbm>> -> memref<16384xf32, #tpu.memory_space<hbm>>
    tpu.wait_dma2 semaphore(%arg14 : memref<!tpu.dma_semaphore, #tpu.memory_space<semaphore_mem>>) src(%arg6 : memref<16384xf32, #tpu.memory_space<vmem_shared>>) dst(%dma_wait3A_49 : memref<16384xf32, #tpu.memory_space<hbm>>)
    %dma_wait3A_50 = arith.constant 0 : i32
    %dma_wait3A_51 = tpu.memref_slice %arg3[%dma_wait3A_50] : memref<65536xf32, #tpu.memory_space<hbm>> -> memref<16384xf32, #tpu.memory_space<hbm>>
    tpu.wait_dma2 semaphore(%arg15 : memref<!tpu.dma_semaphore, #tpu.memory_space<semaphore_mem>>) src(%arg7 : memref<16384xf32, #tpu.memory_space<vmem_shared>>) dst(%dma_wait3A_51 : memref<16384xf32, #tpu.memory_space<hbm>>)
    %dma_wait3A_52 = arith.constant 16384 : i32
    %dma_wait3A_53 = tpu.memref_slice %arg3[%dma_wait3A_52] : memref<65536xf32, #tpu.memory_space<hbm>> -> memref<16384xf32, #tpu.memory_space<hbm>>
    tpu.wait_dma2 semaphore(%arg16 : memref<!tpu.dma_semaphore, #tpu.memory_space<semaphore_mem>>) src(%arg8 : memref<16384xf32, #tpu.memory_space<vmem_shared>>) dst(%dma_wait3A_53 : memref<16384xf32, #tpu.memory_space<hbm>>)
    %dma_wait3A_54 = arith.constant 32768 : i32
    %dma_wait3A_55 = tpu.memref_slice %arg3[%dma_wait3A_54] : memref<65536xf32, #tpu.memory_space<hbm>> -> memref<16384xf32, #tpu.memory_space<hbm>>
    tpu.wait_dma2 semaphore(%arg17 : memref<!tpu.dma_semaphore, #tpu.memory_space<semaphore_mem>>) src(%arg9 : memref<16384xf32, #tpu.memory_space<vmem_shared>>) dst(%dma_wait3A_55 : memref<16384xf32, #tpu.memory_space<hbm>>)
    %dma_wait3A_56 = arith.constant 49152 : i32
    %dma_wait3A_57 = tpu.memref_slice %arg3[%dma_wait3A_56] : memref<65536xf32, #tpu.memory_space<hbm>> -> memref<16384xf32, #tpu.memory_space<hbm>>
    tpu.wait_dma2 semaphore(%arg18 : memref<!tpu.dma_semaphore, #tpu.memory_space<semaphore_mem>>) src(%arg10 : memref<16384xf32, #tpu.memory_space<vmem_shared>>) dst(%dma_wait3A_57 : memref<16384xf32, #tpu.memory_space<hbm>>)
    %dma_wait3A_58 = arith.constant 0 : i32
    %dma_wait3A_59 = tpu.memref_slice %arg4[%dma_wait3A_58] : memref<32768xf32, #tpu.memory_space<hbm>> -> memref<16384xf32, #tpu.memory_space<hbm>>
    tpu.wait_dma2 semaphore(%arg19 : memref<!tpu.dma_semaphore, #tpu.memory_space<semaphore_mem>>) src(%arg11 : memref<16384xf32, #tpu.memory_space<vmem_shared>>) dst(%dma_wait3A_59 : memref<16384xf32, #tpu.memory_space<hbm>>)
    %dma_wait3A_60 = arith.constant 16384 : i32
    %dma_wait3A_61 = tpu.memref_slice %arg4[%dma_wait3A_60] : memref<32768xf32, #tpu.memory_space<hbm>> -> memref<16384xf32, #tpu.memory_space<hbm>>
    tpu.wait_dma2 semaphore(%arg20 : memref<!tpu.dma_semaphore, #tpu.memory_space<semaphore_mem>>) src(%arg12 : memref<16384xf32, #tpu.memory_space<vmem_shared>>) dst(%dma_wait3A_61 : memref<16384xf32, #tpu.memory_space<hbm>>)
    return
  }
}

</mosaic_0001>

<sc_bundles>
// kernel: kernel.3.cloned.1.call-start
scs
__scs_entry_jumppad:
0x0: {  	(pc) =	sbr.rel $0x88, $3  }
0x1: {  	(tag) =	ssettag $0x0;
	lr =	simm.s32 $0x1  }
0x2: {  	[smem:$0x3FA0] =	sst lr;
	_ =	strace $0xD0000000  }
0x3: {  	_ = 	snop  }
0x4: {  	_ = 	snop  }
0x5: {  	_ = 	snop  }
0x6: {  	_ = 	snop  }
0x7: {  	_ = 	snop  }
__scs_overlays_trampoline_lowered:
0x8: {  	[smem:$0x3FAF] =	sst s0  }
0x9: {  	[smem:$0x3FB0] =	sst s1  }
0xa: {  	[smem:$0x3FB1] =	sst s2  }
0xb: {  	[smem:$0x3FB2] =	sst s3  }
0xc: {  	[smem:$0x3FB3] =	sst s4  }
0xd: {  	[smem:$0x3FB4] =	sst s5  }
0xe: {  	[smem:$0x3FB5] =	sst s6  }
0xf: {  	[smem:$0x3FB6] =	sst s7  }
0x10: {  	[smem:$0x3FB7] =	sst s8  }
0x11: {  	[smem:$0x3FB8] =	sst s9;
	s0 =	simm.s32 @!p0 $0x0  }
0x12: {  	s1 =	sld [smem:$0x3F9E];
	s0 =	simm.s32 @p0 $0x1  }
0x13: {  	[smem:$0x3FB9] =	sst s0;
	s0 =	simm.s32 @!p1 $0x0  }
0x14: {  	s2 =	sld [smem:$0x3F9D];
	s0 =	simm.s32 @p1 $0x1  }
0x15: {  	[smem:$0x3FBA] =	sst s0;
	s0 =	simm.s32 @!p2 $0x0  }
0x16: {  	s3 =	sld [smem:$0x3FDB];
	s0 =	simm.s32 @p2 $0x1  }
0x17: {  	s4 =	simm.s32 $0x1BF5;
	[smem:$0x3FBC] =	sst s0  }
0x18: {  	s0 =	sld [smem:$0x3F9F];
	_ =	swait.ge [sflag:s4], $0x0  }
0x19: {  	s7 =	sld [smem:$0x3FA0]  }
0x1a: {  	s8 =	sadd.s32 $0xFFFFE003, lr  }
0x1b: {  	s9 =	sadd.s32 $0xFFFFFEF7, lr;
	s5 =	simm.s32 $0xFFFFFFFF;
	p2 =	slt.u32 s8, $0xFFFFF086  }
0x1c: {  	p1 =	slt.u32 s9, $0xF7A;
	s5 =	simm.s32 @!p2 $0x0  }
0x1d: {  	s5 =	simm.s32 @p1 $0x1;
	p0 =	seq.s32 s7, s2  }
0x1e: {  	s7 =	smul.u32 @!p0 $0xF7A, s2;
	p2 =	seq.s32 @!p0 s5, $0x0  }
0x1f: {  	s9 =	smul.u32 $0xF7A, s1;
	s8 =	simm.s32 @!p0 $0x1BF5;
	p2 =	por !p2, p0  }
0x20: {  	[sflag:s8] =	ssyncset.s32 @!p0 $0xFFFFF086;
	s6 =	sadd.s32 @!p0 s3, s7;
	s7 =	simm.s32 @!p0 $0x108  }
0x21: {  	s3 =	sadd.s32 s3, s9;
	s6 =	sadd.s32 @!p0 $0x88, s6;
	s7 =	simm.s32 @p2 $0x1082  }
0x22: {  	[simem:s7], [sflag:s8] =	dma.local @!p0 [hbm:s6], $0xF7A  }
0x23: {  	s9 =	sor.u32 $0xD0000000, s2;
	s6 =	simm.s32 $0x108;
	_ =	swait.ge @!p0 [sflag:s8], $0x0  }
0x24: {  	s3 =	sadd.s32 $0x88, s3;
	s6 =	simm.s32 @!p1 $0x1082;
	[sflag:s4] =	ssyncset.s32 $0xFFFFF086  }
0x25: {  	[simem:s6], [sflag:s4] =	dma.local [hbm:s3], $0xF7A  }
0x26: {  	[smem:$0x3FA0] =	sst s1;
	(tag) =	ssettag s2;
	_ =	strace s9  }
0x27: {  	s1 =	sld [smem:$0x3FB0]  }
0x28: {  	s2 =	sld [smem:$0x3FB1]  }
0x29: {  	s4 =	sld [smem:$0x3FB3]  }
0x2a: {  	p0 =	seq.s32 s5, $0x0;
	s5 =	sld [smem:$0x3FB4]  }
0x2b: {  	s6 =	sld [smem:$0x3FB5]  }
0x2c: {  	s7 =	sld [smem:$0x3FB6]  }
0x2d: {  	s3 =	simm.s32 $0x108;
	s8 =	sld [smem:$0x3FB7]  }
0x2e: {  	s3 =	simm.s32 @!p0 $0x1082;
	s9 =	sld [smem:$0x3FB8]  }
0x2f: {  	lr =	sadd.s32 s0, s3;
	s0 =	sld [smem:$0x3FAF]  }
0x30: {  	s3 =	sld [smem:$0x3FB2]  }
0x31: {  	[smem:$0x3FBB] =	sst s10  }
0x32: {  	s10 =	sld [smem:$0x3FB9];
	_ =	sdelay $0x3  }
0x33: {  	p0 =	seq.s32 s10, $0x1;
	s10 =	sld [smem:$0x3FBB];
	_ =	sdelay $0x3  }
0x34: {  	[smem:$0x3FBB] =	sst s10  }
0x35: {  	s10 =	sld [smem:$0x3FBA];
	_ =	sdelay $0x3  }
0x36: {  	p1 =	seq.s32 s10, $0x1;
	s10 =	sld [smem:$0x3FBB];
	_ =	sdelay $0x3  }
0x37: {  	[smem:$0x3FBB] =	sst s10  }
0x38: {  	s10 =	sld [smem:$0x3FBC]  }
0x39: {  	_ = 	snop;
	(pc) =	sbr.ind lr, $3  }
0x3a: {  	_ = 	snop  }
0x3b: {  	_ = 	snop  }
0x3c: {  	p2 =	seq.s32 s10, $0x1;
	s10 =	sld [smem:$0x3FBB]  }
0x3d: {  	_ =	shalt  }
0x3e: {  	_ =	shalt  }
0x3f: {  	_ =	shalt  }
0x40: {  	_ =	shalt  }
0x41: {  	_ =	shalt  }
0x42: {  	_ =	shalt  }
0x43: {  	_ =	shalt  }
0x44: {  	_ =	shalt  }
0x45: {  	_ =	shalt  }
0x46: {  	_ =	shalt  }
0x47: {  	_ =	shalt  }
0x48: {  	_ =	shalt  }
0x49: {  	_ =	shalt  }
0x4a: {  	_ =	shalt  }
0x4b: {  	_ =	shalt  }
0x4c: {  	_ =	shalt  }
0x4d: {  	_ =	shalt  }
0x4e: {  	_ =	shalt  }
0x4f: {  	_ =	shalt  }
0x50: {  	_ =	shalt  }
0x51: {  	_ =	shalt  }
0x52: {  	_ =	shalt  }
0x53: {  	_ =	shalt  }
0x54: {  	_ =	shalt  }
0x55: {  	_ =	shalt  }
0x56: {  	_ =	shalt  }
0x57: {  	_ =	shalt  }
0x58: {  	_ =	shalt  }
0x59: {  	_ =	shalt  }
0x5a: {  	_ =	shalt  }
0x5b: {  	_ =	shalt  }
0x5c: {  	_ =	shalt  }
0x5d: {  	_ =	shalt  }
0x5e: {  	_ =	shalt  }
0x5f: {  	_ =	shalt  }
0x60: {  	_ =	shalt  }
0x61: {  	_ =	shalt  }
0x62: {  	_ =	shalt  }
0x63: {  	_ =	shalt  }
0x64: {  	_ =	shalt  }
0x65: {  	_ =	shalt  }
0x66: {  	_ =	shalt  }
0x67: {  	_ =	shalt  }
0x68: {  	_ =	shalt  }
0x69: {  	_ =	shalt  }
0x6a: {  	_ =	shalt  }
0x6b: {  	_ =	shalt  }
0x6c: {  	_ =	shalt  }
0x6d: {  	_ =	shalt  }
0x6e: {  	_ =	shalt  }
0x6f: {  	_ =	shalt  }
0x70: {  	_ =	shalt  }
0x71: {  	_ =	shalt  }
0x72: {  	_ =	shalt  }
0x73: {  	_ =	shalt  }
0x74: {  	_ =	shalt  }
0x75: {  	_ =	shalt  }
0x76: {  	_ =	shalt  }
0x77: {  	_ =	shalt  }
0x78: {  	_ =	shalt  }
0x79: {  	_ =	shalt  }
0x7a: {  	_ =	shalt  }
0x7b: {  	_ =	shalt  }
0x7c: {  	_ =	shalt  }
0x7d: {  	_ =	shalt  }
0x7e: {  	_ =	shalt  }
0x7f: {  	_ =	shalt  }
0x80: {  	_ =	shalt  }
0x81: {  	_ =	shalt  }
0x82: {  	_ =	shalt  }
0x83: {  	_ =	shalt  }
0x84: {  	_ =	shalt  }
0x85: {  	_ =	shalt  }
0x86: {  	_ =	shalt  }
0x87: {  	_ =	shalt  }
.Lfunc_end0:
.L_simem_size_0:
called_computation_lowered:
.L_overlay_start_0:
0x88: {  	s0 =	sld [smem:$0x3FD9]  }
0x89: {  	s1 =	sld [smem:$0x3FFE];
	_ =	sdelay $0x3  }
0x8a: {  	s0 =	sadd.s32 s1, s0  }
0x8b: {  	[smem:$0x3FC7] =	sst s0  }
0x8c: {  	_ = 	snop  }
0x8d: {  	s24 =	sld [smem:$0x3FD0];
	_ =	sdelay $0x2  }
0x8e: {  	s2 =	simm.s32 $0x11;
	s0 =	simm.s32 $0x10;
	s10 =	sld [smem:$0x3FC9]  }
0x8f: {  	[smem:s0], [sflag:s2] =	dma.local [hbm:s24], $0x1  }
0x90: {  	_ =	swait.eq [sflag:s2], $0x1  }
0x91: {  	[sflag:s2] =	ssyncset.done $0x0  }
0x92: {  	[sflag:s2] =	ssyncadd.s32 $0xFFFFFFFF  }
0x93: {  	s2 =	sld [smem:$0x11]  }
0x94: {  	s11 =	simm.s32 $0x0;
	s1 =	sld [smem:$0x12]  }
0x95: {  	[smem:$0xF] =	sst s11  }
0x96: {  	(tm) =	ssettm $0x1  }
0x97: {  	s3 =	sld [smem:$0x3FFB];
	_ =	sdelay $0x3  }
0x98: {  	_ =	strace s3  }
0x99: {  	s3 =	sld [smem:$0x3FFC];
	_ =	sdelay $0x3  }
0x9a: {  	_ =	strace s3  }
0x9b: {  	s3 =	sld [smem:$0x3FFD]  }
0x9c: {  	s25 =	simm.s32 $0x1B8B  }
0x9d: {  	s26 =	simm.s32 $0x1B8E;
	s28 =	simm.s32 $0x9;
	s4 =	simm.s32 $0xA  }
0x9e: {  	s13 =	simm.s32 $0x800;
	s29 =	simm.s32 $0xB;
	s14 =	simm.s32 $0x1000  }
0x9f: {  	s30 =	simm.s32 $0xC;
	s15 =	simm.s32 $0x1800;
	_ =	strace s3  }
0xa0: {  	s31 =	simm.s32 $0xD;
	s16 =	simm.s32 $0x2000;
	_ =	strace $0x8FFFFFFF  }
0xa1: {  	s20 =	simm.s32 $0xE;
	s17 =	simm.s32 $0x2800;
	_ =	swait.ge [sflag:s25], $0x1  }
0xa2: {  	s21 =	simm.s32 $0xF;
	s19 =	simm.s32 $0x3000;
	[sflag:s25] =	ssyncset.done $0x0  }
0xa3: {  	s22 =	simm.s32 $0x3800;
	s5 =	sadd.s32 $0x800, s10;
	[sflag:s25] =	ssyncadd.s32 $0xFFFFFFFF  }
0xa4: {  	s6 =	sadd.s32 $0x1000, s10;
	s7 =	sadd.s32 $0x1800, s10;
	[smem:$0x3FD2] =	sst s26  }
0xa5: {  	s8 =	sadd.s32 $0x2000, s10;
	s12 =	sld [smem:$0x3FFE];
	_ =	strace $0x80000046  }
0xa6: {  	[spmem:s11], [sflag:s28] =	dma.local [hbm:s10], $0x800  }
0xa7: {  	s9 =	sadd.s32 $0x2800, s10;
	s18 =	sadd.s32 $0x3000, s10;
	s10 =	sadd.s32 $0x3800, s10  }
0xa8: {  	[spmem:s13], [sflag:s4] =	dma.local [hbm:s5], $0x800  }
0xa9: {  	[spmem:s14], [sflag:s29] =	dma.local [hbm:s6], $0x800  }
0xaa: {  	[spmem:s15], [sflag:s30] =	dma.local [hbm:s7], $0x800  }
0xab: {  	[spmem:s16], [sflag:s31] =	dma.local [hbm:s8], $0x800  }
0xac: {  	[spmem:s17], [sflag:s20] =	dma.local [hbm:s9], $0x800  }
0xad: {  	[spmem:s19], [sflag:s21] =	dma.local [hbm:s18], $0x800  }
0xae: {  	[spmem:s22], [sflag:s0] =	dma.local [hbm:s10], $0x800  }
0xaf: {  	_ =	swait.ge [sflag:s28], $0x800  }
0xb0: {  	[sflag:s28] =	ssyncset.done $0x0  }
0xb1: {  	[sflag:s28] =	ssyncadd.s32 $0xFFFFF800  }
0xb2: {  	s23 =	sadd.s32 $0xA00, s12  }
0xb3: {  	[hbm:s23], [sflag:s28] =	dma.local [spmem:s11], $0x800  }
0xb4: {  	_ =	swait.ge [sflag:s4], $0x800  }
0xb5: {  	[sflag:s4] =	ssyncset.done $0x0  }
0xb6: {  	[sflag:s4] =	ssyncadd.s32 $0xFFFFF800  }
0xb7: {  	s24 =	sadd.s32 $0x1200, s12  }
0xb8: {  	[hbm:s24], [sflag:s4] =	dma.local [spmem:s13], $0x800  }
0xb9: {  	_ =	swait.ge [sflag:s29], $0x800  }
0xba: {  	[sflag:s29] =	ssyncset.done $0x0  }
0xbb: {  	[sflag:s29] =	ssyncadd.s32 $0xFFFFF800;
	_ =	sdelay $0x1  }
0xbc: {  	[hbm:s2], [sflag:s29] =	dma.local [spmem:s14], $0x800  }
0xbd: {  	_ =	swait.ge [sflag:s30], $0x800  }
0xbe: {  	[sflag:s30] =	ssyncset.done $0x0  }
0xbf: {  	[sflag:s30] =	ssyncadd.s32 $0xFFFFF800  }
0xc0: {  	s25 =	sadd.s32 $0x800, s2  }
0xc1: {  	[hbm:s25], [sflag:s30] =	dma.local [spmem:s15], $0x800  }
0xc2: {  	_ =	swait.ge [sflag:s31], $0x800  }
0xc3: {  	[sflag:s31] =	ssyncset.done $0x0  }
0xc4: {  	[sflag:s31] =	ssyncadd.s32 $0xFFFFF800  }
0xc5: {  	s26 =	sadd.s32 $0x1000, s2  }
0xc6: {  	[hbm:s26], [sflag:s31] =	dma.local [spmem:s16], $0x800  }
0xc7: {  	_ =	swait.ge [sflag:s20], $0x800  }
0xc8: {  	[sflag:s20] =	ssyncset.done $0x0  }
0xc9: {  	[sflag:s20] =	ssyncadd.s32 $0xFFFFF800  }
0xca: {  	s2 =	sadd.s32 $0x1800, s2  }
0xcb: {  	[hbm:s2], [sflag:s20] =	dma.local [spmem:s17], $0x800  }
0xcc: {  	_ =	swait.ge [sflag:s21], $0x800  }
0xcd: {  	[sflag:s21] =	ssyncset.done $0x0  }
0xce: {  	[sflag:s21] =	ssyncadd.s32 $0xFFFFF800;
	_ =	sdelay $0x1  }
0xcf: {  	[hbm:s1], [sflag:s21] =	dma.local [spmem:s19], $0x800  }
0xd0: {  	_ =	swait.ge [sflag:s0], $0x800  }
0xd1: {  	[sflag:s0] =	ssyncset.done $0x0  }
0xd2: {  	[sflag:s0] =	ssyncadd.s32 $0xFFFFF800  }
0xd3: {  	s1 =	sadd.s32 $0x800, s1  }
0xd4: {  	[hbm:s1], [sflag:s0] =	dma.local [spmem:s22], $0x800  }
0xd5: {  	_ =	swait.ge [sflag:s28], $0x800  }
0xd6: {  	[sflag:s28] =	ssyncset.done $0x0  }
0xd7: {  	[sflag:s28] =	ssyncadd.s32 $0xFFFFF800;
	_ =	sdelay $0x2  }
0xd8: {  	_ =	swait.ge [sflag:s4], $0x800  }
0xd9: {  	[sflag:s4] =	ssyncset.done $0x0  }
0xda: {  	[sflag:s4] =	ssyncadd.s32 $0xFFFFF800;
	_ =	sdelay $0x2  }
0xdb: {  	_ =	swait.ge [sflag:s29], $0x800  }
0xdc: {  	[sflag:s29] =	ssyncset.done $0x0  }
0xdd: {  	[sflag:s29] =	ssyncadd.s32 $0xFFFFF800;
	_ =	sdelay $0x2  }
0xde: {  	_ =	swait.ge [sflag:s30], $0x800  }
0xdf: {  	[sflag:s30] =	ssyncset.done $0x0  }
0xe0: {  	[sflag:s30] =	ssyncadd.s32 $0xFFFFF800;
	_ =	sdelay $0x2  }
0xe1: {  	_ =	swait.ge [sflag:s31], $0x800  }
0xe2: {  	[sflag:s31] =	ssyncset.done $0x0  }
0xe3: {  	[sflag:s31] =	ssyncadd.s32 $0xFFFFF800;
	_ =	sdelay $0x2  }
0xe4: {  	_ =	swait.ge [sflag:s20], $0x800  }
0xe5: {  	[sflag:s20] =	ssyncset.done $0x0  }
0xe6: {  	[sflag:s20] =	ssyncadd.s32 $0xFFFFF800;
	_ =	sdelay $0x2  }
0xe7: {  	_ =	swait.ge [sflag:s21], $0x800  }
0xe8: {  	[sflag:s21] =	ssyncset.done $0x0  }
0xe9: {  	[sflag:s21] =	ssyncadd.s32 $0xFFFFF800;
	_ =	sdelay $0x2  }
0xea: {  	_ =	swait.ge [sflag:s0], $0x800  }
0xeb: {  	[sflag:s0] =	ssyncset.done $0x0  }
0xec: {  	[sflag:s0] =	ssyncadd.s32 $0xFFFFF800  }
0xed: {  	_ =	strace $0x90000046  }
0xee: {  	_ =	sfence  }
0xef: {  	s28 =	sld [smem:$0x0];
	_ =	sdelay $0x1  }
0xf0: {  	s29 =	srdreg.scid  }
0xf1: {  	s30 =	sshll.u32 s29, $0xD;
	s31 =	sshrl.u32 s29, $0x2  }
0xf2: {  	s1 =	sand.u32 $0x1, s29;
	s2 =	sand.u32 $0x4000, s30;
	s0 =	sadd.s32 s31, s28  }
0xf3: {  	s1 =	sor.u32 s2, s1;
	s0 =	sshll.u32 s0, $0x11  }
0xf4: {  	s0 =	sor.u32 s0, s1  }
0xf5: {  	s0 =	sadd.s32 $0x8F2B, s0;
	(pc) =	sbr.abs _section_cstart, $3  }
0xf6: {  	[sflag:s0] =	ssyncadd.remote.s32 $0x1  }
0xf7: {  	_ =	strace $0x9FFFFFFF  }
0xf8: {  	(tm) =	ssettm $0x7FFFFFFF  }
0xf9: {  	_ =	shalt  }

</sc_bundles>
